<compile_context>
chip_gen: v7x
topology: tpu7x:2x2x1
jax: 0.10.2.dev20260603
libtpu: 0.0.44.dev20260713+nightly
codegen_flags: <defaults>
</compile_context>

<pallas_src>
import functools

import jax
import jax.numpy as jnp
from jax import lax
from jax.experimental import pallas as pl
from jax.experimental.pallas import tpu as pltpu
from jax.experimental.pallas import tpu_sc as plsc

EPS = 1e-08

N_IMG = 4
C = 20
HW = 512 * 512
NSP = 2048

_NC = 2
_NS = 16
_NW = _NC * _NS
_CHUNK = (N_IMG * HW) // _NW
_W_PER_IMG = HW // _CHUNK
_LANES = 16

_S = 64
_B = _S * 512
_NBLK = HW // _B


def _pack_body(t_ref, bits_ref):
    t = t_ref[...].reshape(N_IMG * NSP, C)
    w0 = (1 << lax.broadcasted_iota(jnp.int32, (C, 1), 0)).astype(jnp.float32)
    w1 = jnp.ones((C, 1), jnp.float32)
    tbit = (t != 0.0).astype(jnp.float32)
    dims = (((1,), (0,)), ((), ()))
    bits = jax.lax.dot_general(tbit, w0, dims,
                               preferred_element_type=jnp.float32)
    cnt = jax.lax.dot_general(tbit, w1, dims,
                              preferred_element_type=jnp.float32)
    word = bits.astype(jnp.int32) | (cnt.astype(jnp.int32) << 20)
    bits_ref[...] = word.reshape(N_IMG, NSP)


def _pack_targets(targets):
    return pl.pallas_call(
        _pack_body,
        out_shape=jax.ShapeDtypeStruct((N_IMG, NSP), jnp.int32),
    )(targets)


@functools.cache
def _make_sc_gather():
    mesh = plsc.VectorSubcoreMesh(core_axis_name="c", subcore_axis_name="s")

    @functools.partial(
        pl.kernel,
        mesh=mesh,
        out_type=jax.ShapeDtypeStruct((N_IMG * HW,), jnp.int32),
        scratch_types=[
            pltpu.VMEM((NSP,), jnp.int32),
            pltpu.VMEM((_CHUNK,), jnp.int32),
            pltpu.VMEM((_CHUNK,), jnp.int32),
        ],
        compiler_params=pltpu.CompilerParams(needs_layout_passes=False),
    )
    def sc_gather(bits_hbm, sp_hbm, out_hbm, table_v, idx_v, out_v):
        wid = lax.axis_index("s") * _NC + lax.axis_index("c")
        img = wid // _W_PER_IMG
        base = pl.multiple_of(wid * _CHUNK, 8)
        tab_off = pl.multiple_of(img * NSP, 8)
        pltpu.sync_copy(bits_hbm.at[pl.ds(tab_off, NSP)], table_v)
        pltpu.sync_copy(sp_hbm.at[pl.ds(base, _CHUNK)], idx_v)

        @plsc.parallel_loop(0, _CHUNK, _LANES, unroll=8)
        def body(b):
            idx = idx_v[pl.ds(b, _LANES)]
            out_v[pl.ds(b, _LANES)] = plsc.load_gather(table_v, [idx])
        pltpu.sync_copy(out_v, out_hbm.at[pl.ds(base, _CHUNK)])

    return sc_gather


def _math_body(x_ref, m_ref, spm_ref, out_ref, acc_ref, cnt_ref):
    step = pl.program_id(0) * _NBLK + pl.program_id(1)

    @pl.when(step == 0)
    def _():
        acc_ref[0] = jnp.float32(0.0)
        cnt_ref[0] = jnp.int32(0)

    x = x_ref[0]
    m = m_ref[...]
    mb = jnp.broadcast_to(m, (C, _S, 512))
    cbit = lax.broadcasted_iota(jnp.int32, (C, _S, 512), 0)
    tb = ((mb >> cbit) & 1) != 0

    e = jnp.exp(x)
    s0 = jnp.sum(jnp.where(tb, 0.0, e), axis=0, keepdims=True)
    ce = jnp.where(tb, jnp.log(s0 + e) - x, 0.0)
    pix = jnp.sum(ce, axis=0, keepdims=True)
    k = (m >> 20).astype(jnp.float32)
    sel = (m != 0) & (spm_ref[...] != 0)
    pix_ce = jnp.where(sel, pix / jnp.maximum(k, 1.0), 0.0)

    acc_ref[0] += jnp.sum(pix_ce)
    cnt_ref[0] += jnp.sum(sel.astype(jnp.int32))

    @pl.when(step == N_IMG * _NBLK - 1)
    def _():
        out_ref[0, 0] = acc_ref[0] / (jnp.int32(1) + cnt_ref[0]).astype(jnp.float32)


def _math(x4, m3, spm4):
    return pl.pallas_call(
        _math_body,
        grid=(N_IMG, _NBLK),
        in_specs=[
            pl.BlockSpec((1, C, _S, 512), lambda n, b: (n, 0, b, 0)),
            pl.BlockSpec((1, _S, 512), lambda n, b: (n * _NBLK + b, 0, 0)),
            pl.BlockSpec((1, _S, 512), lambda n, b: (n, b, 0)),
        ],
        out_specs=pl.BlockSpec((1, 1), lambda n, b: (0, 0), memory_space=pltpu.SMEM),
        out_shape=jax.ShapeDtypeStruct((1, 1), jnp.float32),
        scratch_shapes=[
            pltpu.SMEM((1,), jnp.float32),
            pltpu.SMEM((1,), jnp.int32),
        ],
    )(x4, m3, spm4)


def kernel(inputs, targets, superpixels, spmasks):
    n, c, h, w = inputs.shape
    sp = superpixels.reshape(-1).astype(jnp.int32)

    words = _pack_targets(targets).reshape(-1)
    gathered = _make_sc_gather()(words, sp)
    m3 = gathered.reshape(n * _NBLK, _S, 512)
    out = _math(inputs, m3, spmasks.view(jnp.int8))
    return out[0, 0]

# --- scband reference (transcript-rebuilt; emitter-appended) ---
"""Pipeline reference for scband-exclusive-ce-12128987644150 (READ-ONLY COPY).

The authoritative reference and input builder live on the scoring server;
editing this copy changes nothing except your own understanding.
"""

import jax, jax.numpy as jnp
import numpy as np

EPS = 1e-08

def setup_inputs(seed: int = 0) -> dict:
    key = jax.random.key(seed)
    k1, k2, k3, k4 = jax.random.split(key, 4)
    inputs = jax.random.normal(k1, (4, 20, 512, 512), dtype=jnp.float32)
    targets = jax.random.randint(k2, (4, 2048, 20), 0, 2).astype(jnp.float32)
    superpixels = jax.random.randint(k3, (4, 512, 512), 0, 2048).astype(jnp.int64) if jax.config.jax_enable_x64 else jax.random.randint(k3, (4, 512, 512), 0, 2048).astype(jnp.int32)
    spmasks = jax.random.randint(k4, (4, 512, 512), 0, 2).astype(jnp.bool_)
    return {"inputs": inputs, "targets": targets, "superpixels": superpixels, "spmasks": spmasks}

def reference(inputs, targets, superpixels, spmasks):
    N, C, H, W = inputs.shape
    inputs_r = jnp.transpose(inputs, (0, 2, 3, 1)).reshape(N, -1, C)
    superpixels_r = superpixels.reshape(N, -1)
    spmasks_r = spmasks.reshape(N, -1)
    loss = jnp.float32(0.0)
    num_valid = jnp.int32(1)
    for i in range(N):
        valid_mask = spmasks_r[i]
        valid_output = inputs_r[i]
        valid_superpixel = superpixels_r[i]
        trg_pixel = jax.lax.stop_gradient(targets[i][valid_superpixel])
        empty_trg_mask = jnp.any(trg_pixel != 0, axis=1)
        sel = valid_mask & empty_trg_mask
        exp_logit = jnp.exp(valid_output)
        denominator = (exp_logit * (1.0 - trg_pixel)).sum(axis=1)
        denominator = jnp.repeat(denominator[..., None], 20, axis=1)
        denominator = (denominator + exp_logit) * trg_pixel
        exclusive_softmax = exp_logit * trg_pixel / (denominator + EPS)
        exclusive_ce = -jnp.log(exclusive_softmax + EPS) * trg_pixel
        pix_exclusive_ce = exclusive_ce.sum(axis=1)
        pix_ce = pix_exclusive_ce / trg_pixel.sum(axis=1)
        pix_ce = jnp.where(sel, pix_ce, jnp.float32(0.0))
        num_valid = num_valid + sel.sum().astype(jnp.int32)
        loss = loss + pix_ce.sum()
    return loss / num_valid

if __name__ == "__main__":
    import jax
    _d = setup_inputs()
    print(jax.jit(kernel)(*tuple(_d.values())))

</pallas_src>

<mosaic_0001>
#map = affine_map<(d0, d1) -> (0)>
module attributes {stable_mosaic.version = 14 : i64} {
  func.func @sc_gather(%arg0: i32, %arg1: i32, %arg2: memref<8192xi32, #tpu.memory_space<hbm>>, %arg3: memref<1048576xi32, #tpu.memory_space<hbm>>, %arg4: memref<1048576xi32, #tpu.memory_space<hbm>>, %arg5: memref<2048xi32, #tpu.memory_space<vmem>>, %arg6: memref<32768xi32, #tpu.memory_space<vmem>>, %arg7: memref<32768xi32, #tpu.memory_space<vmem>>) attributes {dimension_semantics = [#tpu.dimension_semantics<core_parallel>, #tpu.dimension_semantics<subcore_parallel>], iteration_bounds = array<i64: 2, 16>, scalar_prefetch = 0 : i64, scratch_operands = 3 : i64, tpu.core_type = #tpu.core_type<sc_vector_subcore>, window_params = [{transform_indices = #map}, {transform_indices = #map}, {transform_indices = #map}]} {
    %mul3A = arith.constant 2 : i32
    %mul3A_0 = arith.muli %arg1, %mul3A : i32
    %add3A = arith.addi %mul3A_0, %arg0 : i32
    %jit3A = arith.constant 8 : i32
    %div3A = arith.divsi %add3A, %jit3A : i32
    %sign3A = arith.constant 0 : i32
    %sign3A_1 = arith.cmpi sgt, %add3A, %sign3A : i32
    %sign3A_2 = arith.extui %sign3A_1 : i1 to i32
    %sign3A_3 = arith.constant 0 : i32
    %sign3A_4 = arith.cmpi slt, %add3A, %sign3A_3 : i32
    %sign3A_5 = arith.extui %sign3A_4 : i1 to i32
    %sign3A_6 = arith.subi %sign3A_2, %sign3A_5 : i32
    %sign3A_7 = arith.constant 0 : i32
    %sign3A_8 = arith.cmpi sgt, %jit3A, %sign3A_7 : i32
    %sign3A_9 = arith.extui %sign3A_8 : i1 to i32
    %sign3A_10 = arith.constant 0 : i32
    %sign3A_11 = arith.cmpi slt, %jit3A, %sign3A_10 : i32
    %sign3A_12 = arith.extui %sign3A_11 : i1 to i32
    %sign3A_13 = arith.subi %sign3A_9, %sign3A_12 : i32
    %ne3A = arith.cmpi ne, %sign3A_6, %sign3A_13 : i32
    %rem3A = arith.remsi %add3A, %jit3A : i32
    %ne3A_14 = arith.constant 0 : i32
    %ne3A_15 = arith.cmpi ne, %rem3A, %ne3A_14 : i32
    %and3A = arith.andi %ne3A, %ne3A_15 : i1
    %sub3A = arith.constant 1 : i32
    %sub3A_16 = arith.subi %div3A, %sub3A : i32
    %select_n3A = arith.select %and3A, %sub3A_16, %div3A : i32
    %mul3A_17 = arith.constant 32768 : i32
    %mul3A_18 = arith.muli %add3A, %mul3A_17 : i32
    %multiple_of3A = tpu.assume_multiple %mul3A_18, 8 : i32
    %mul3A_19 = arith.constant 2048 : i32
    %mul3A_20 = arith.muli %select_n3A, %mul3A_19 : i32
    %multiple_of3A_21 = tpu.assume_multiple %mul3A_20, 8 : i32
    "tpu.region"() ({
      %run_scoped3A = tpu.sem_alloc : memref<!tpu.dma_semaphore, #tpu.memory_space<semaphore_mem>>
      %dma_start3A = tpu.memref_slice %arg2[%multiple_of3A_21] : memref<8192xi32, #tpu.memory_space<hbm>> -> memref<2048xi32, #tpu.memory_space<hbm>>
      %dma_start3A_24 = tpu.memref_slice %arg2[%multiple_of3A_21] : memref<8192xi32, #tpu.memory_space<hbm>> -> memref<2048xi32, #tpu.memory_space<hbm>>
      tpu.enqueue_dma source(%dma_start3A_24 : memref<2048xi32, #tpu.memory_space<hbm>>) target(%arg5 : memref<2048xi32, #tpu.memory_space<vmem>>) target_semaphore(%run_scoped3A : memref<!tpu.dma_semaphore, #tpu.memory_space<semaphore_mem>>)
      %dma_wait3A = tpu.memref_slice %arg2[%multiple_of3A_21] : memref<8192xi32, #tpu.memory_space<hbm>> -> memref<2048xi32, #tpu.memory_space<hbm>>
      %dma_wait3A_25 = tpu.memref_slice %arg2[%multiple_of3A_21] : memref<8192xi32, #tpu.memory_space<hbm>> -> memref<2048xi32, #tpu.memory_space<hbm>>
      tpu.wait_dma2 semaphore(%run_scoped3A : memref<!tpu.dma_semaphore, #tpu.memory_space<semaphore_mem>>) src(%dma_wait3A_25 : memref<2048xi32, #tpu.memory_space<hbm>>) dst(%arg5 : memref<2048xi32, #tpu.memory_space<vmem>>)
      tpu.yield
    }) : () -> ()
    "tpu.region"() ({
      %run_scoped3A = tpu.sem_alloc : memref<!tpu.dma_semaphore, #tpu.memory_space<semaphore_mem>>
      %dma_start3A = tpu.memref_slice %arg3[%multiple_of3A] : memref<1048576xi32, #tpu.memory_space<hbm>> -> memref<32768xi32, #tpu.memory_space<hbm>>
      %dma_start3A_24 = tpu.memref_slice %arg3[%multiple_of3A] : memref<1048576xi32, #tpu.memory_space<hbm>> -> memref<32768xi32, #tpu.memory_space<hbm>>
      tpu.enqueue_dma source(%dma_start3A_24 : memref<32768xi32, #tpu.memory_space<hbm>>) target(%arg6 : memref<32768xi32, #tpu.memory_space<vmem>>) target_semaphore(%run_scoped3A : memref<!tpu.dma_semaphore, #tpu.memory_space<semaphore_mem>>)
      %dma_wait3A = tpu.memref_slice %arg3[%multiple_of3A] : memref<1048576xi32, #tpu.memory_space<hbm>> -> memref<32768xi32, #tpu.memory_space<hbm>>
      %dma_wait3A_25 = tpu.memref_slice %arg3[%multiple_of3A] : memref<1048576xi32, #tpu.memory_space<hbm>> -> memref<32768xi32, #tpu.memory_space<hbm>>
      tpu.wait_dma2 semaphore(%run_scoped3A : memref<!tpu.dma_semaphore, #tpu.memory_space<semaphore_mem>>) src(%dma_wait3A_25 : memref<32768xi32, #tpu.memory_space<hbm>>) dst(%arg6 : memref<32768xi32, #tpu.memory_space<vmem>>)
      tpu.yield
    }) : () -> ()
    %parallel_loop3A = arith.constant 0 : i32
    %parallel_loop3A_22 = arith.constant 32768 : i32
    %parallel_loop3A_23 = arith.constant 16 : i32
    scf.for %parallel_loop3A_24 = %parallel_loop3A to %parallel_loop3A_22 step %parallel_loop3A_23  : i32 {
      %parallel_loop3A_25 = arith.index_cast %parallel_loop3A_24 : i32 to index
      %parallel_loop3A_26 = tpu.vector_load %arg6[%parallel_loop3A_25] {strides = array<i32>} : memref<32768xi32, #tpu.memory_space<vmem>>, vector<16xi32>,
      %parallel_loop3A_27 = tpu.vector_load_idx %arg5[%parallel_loop3A_26] : memref<2048xi32, #tpu.memory_space<vmem>>[vector<16xi32>], vector<16xi32>,
      %parallel_loop3A_28 = arith.index_cast %parallel_loop3A_24 : i32 to index
      %parallel_loop3A_29 = tpu.vector_load %arg7[%parallel_loop3A_28] {strides = array<i32>} : memref<32768xi32, #tpu.memory_space<vmem>>, vector<16xi32>,
      tpu.vector_store %arg7[%parallel_loop3A_28], %parallel_loop3A_27 {strides = array<i32>} : memref<32768xi32, #tpu.memory_space<vmem>>, vector<16xi32>,
    } {sc.loop_unroll_factor = 8 : i64, sc.parallel_access}
    "tpu.region"() ({
      %run_scoped3A = tpu.sem_alloc : memref<!tpu.dma_semaphore, #tpu.memory_space<semaphore_mem>>
      %dma_start3A = tpu.memref_slice %arg4[%multiple_of3A] : memref<1048576xi32, #tpu.memory_space<hbm>> -> memref<32768xi32, #tpu.memory_space<hbm>>
      %dma_start3A_24 = tpu.memref_slice %arg4[%multiple_of3A] : memref<1048576xi32, #tpu.memory_space<hbm>> -> memref<32768xi32, #tpu.memory_space<hbm>>
      tpu.enqueue_dma source(%arg7 : memref<32768xi32, #tpu.memory_space<vmem>>) target(%dma_start3A_24 : memref<32768xi32, #tpu.memory_space<hbm>>) target_semaphore(%run_scoped3A : memref<!tpu.dma_semaphore, #tpu.memory_space<semaphore_mem>>)
      %dma_wait3A = tpu.memref_slice %arg4[%multiple_of3A] : memref<1048576xi32, #tpu.memory_space<hbm>> -> memref<32768xi32, #tpu.memory_space<hbm>>
      %dma_wait3A_25 = tpu.memref_slice %arg4[%multiple_of3A] : memref<1048576xi32, #tpu.memory_space<hbm>> -> memref<32768xi32, #tpu.memory_space<hbm>>
      tpu.wait_dma2 semaphore(%run_scoped3A : memref<!tpu.dma_semaphore, #tpu.memory_space<semaphore_mem>>) src(%arg7 : memref<32768xi32, #tpu.memory_space<vmem>>) dst(%dma_wait3A_25 : memref<32768xi32, #tpu.memory_space<hbm>>)
      tpu.yield
    }) : () -> ()
    return
  }
}

module attributes {stable_mosaic.version = 14 : i64} {
  func.func @_pack_body(%arg0: memref<4x2048x20xf32, #tpu.memory_space<vmem>>, %arg1: memref<4x2048xi32, #tpu.memory_space<vmem>>) attributes {dimension_semantics = [], scalar_prefetch = 0 : i64, scratch_operands = 0 : i64, tpu.core_type = #tpu.core_type<tc>} {
    %get3A = arith.constant 0 : index
    %get3A_0 = arith.constant 0 : index
    %get3A_1 = arith.constant 0 : index
    %get3A_2 = vector.load %arg0[%get3A, %get3A_0, %get3A_1] : memref<4x2048x20xf32, #tpu.memory_space<vmem>>, vector<4x2048x20xf32>
    %reshape3A = vector.shape_cast %get3A_2 : vector<4x2048x20xf32> to vector<8192x20xf32>
    %iota3A = tpu.iota {dimensions = array<i32: 0>} : vector<20x1xi32>
    %shift_left3A = arith.constant 1 : i32
    %shift_left3A_3 = vector.broadcast %shift_left3A : i32 to vector<20x1xi32>
    %shift_left3A_4 = arith.shli %shift_left3A_3, %iota3A : vector<20x1xi32>
    %convert_element_type3A = arith.sitofp %shift_left3A_4 : vector<20x1xi32> to vector<20x1xf32>
    %broadcast_in_dim3A = arith.constant 1.000000e+00 : f32
    %broadcast_in_dim3A_5 = vector.broadcast %broadcast_in_dim3A : f32 to vector<20x1xf32>
    %ne3A = arith.constant 0.000000e+00 : f32
    %ne3A_6 = vector.broadcast %ne3A : f32 to vector<8192x20xf32>
    %ne3A_7 = arith.cmpf one, %reshape3A, %ne3A_6 : vector<8192x20xf32>
    %convert_element_type3A_8 = arith.extui %ne3A_7 : vector<8192x20xi1> to vector<8192x20xi32>
    %convert_element_type3A_9 = arith.sitofp %convert_element_type3A_8 : vector<8192x20xi32> to vector<8192x20xf32>
    %dot_general3A = arith.constant dense<0.000000e+00> : vector<8192x1xf32>
    %dot_general3A_10 = tpu.matmul %convert_element_type3A_9, %convert_element_type3A, %dot_general3A {dimension_numbers = #tpu.dot_dimension_numbers<[1], [0], [0], [1], [0, 0, 1, 1], [], []>, transpose_lhs_hint = false} : vector<8192x20xf32>, vector<20x1xf32>, vector<8192x1xf32> -> vector<8192x1xf32>
    %dot_general3A_11 = arith.constant dense<0.000000e+00> : vector<8192x1xf32>
    %dot_general3A_12 = tpu.matmul %convert_element_type3A_9, %broadcast_in_dim3A_5, %dot_general3A_11 {dimension_numbers = #tpu.dot_dimension_numbers<[1], [0], [0], [1], [0, 0, 1, 1], [], []>, transpose_lhs_hint = false} : vector<8192x20xf32>, vector<20x1xf32>, vector<8192x1xf32> -> vector<8192x1xf32>
    %convert_element_type3A_13 = arith.fptosi %dot_general3A_10 : vector<8192x1xf32> to vector<8192x1xi32>
    %convert_element_type3A_14 = arith.fptosi %dot_general3A_12 : vector<8192x1xf32> to vector<8192x1xi32>
    %shift_left3A_15 = arith.constant 20 : i32
    %shift_left3A_16 = vector.broadcast %shift_left3A_15 : i32 to vector<8192x1xi32>
    %shift_left3A_17 = arith.shli %convert_element_type3A_14, %shift_left3A_16 : vector<8192x1xi32>
    %or3A = arith.ori %convert_element_type3A_13, %shift_left3A_17 : vector<8192x1xi32>
    %reshape3A_18 = vector.shape_cast %or3A : vector<8192x1xi32> to vector<4x2048xi32>
    %swap3A = arith.constant 0 : index
    %swap3A_19 = arith.constant 0 : index
    %swap3A_20 = vector.load %arg1[%swap3A, %swap3A_19] : memref<4x2048xi32, #tpu.memory_space<vmem>>, vector<4x2048xi32>
    tpu.vector_store %arg1[%swap3A, %swap3A_19], %reshape3A_18 {strides = array<i32>} : memref<4x2048xi32, #tpu.memory_space<vmem>>, vector<4x2048xi32>,
    return
  }
}

module attributes {stable_mosaic.version = 14 : i64} {
  func.func @_math_body(%arg0: i32, %arg1: i32, %arg2: memref<1x20x64x512xf32, #tpu.memory_space<vmem>>, %arg3: memref<1x64x512xi32, #tpu.memory_space<vmem>>, %arg4: memref<1x64x512xi8, #tpu.memory_space<vmem>>, %arg5: memref<1x1xf32, #tpu.memory_space<smem>>, %arg6: memref<1xf32, #tpu.memory_space<smem>>, %arg7: memref<1xi32, #tpu.memory_space<smem>>) attributes {dimension_semantics = [#tpu.dimension_semantics<arbitrary>, #tpu.dimension_semantics<arbitrary>], iteration_bounds = array<i64: 4, 8>, scalar_prefetch = 0 : i64, scratch_operands = 2 : i64, tpu.core_type = #tpu.core_type<tc>, window_params = [{transform_indices = @transform_0, window_bounds = array<i64: 1, 20, 64, 512>}, {transform_indices = @transform_1, window_bounds = array<i64: 1, 64, 512>}, {transform_indices = @transform_2, window_bounds = array<i64: 1, 64, 512>}, {transform_indices = @transform_3, window_bounds = array<i64: 1, 1>}]} {
    %mul3A = arith.constant 8 : i32
    %mul3A_0 = arith.muli %arg0, %mul3A : i32
    %add3A = arith.addi %mul3A_0, %arg1 : i32
    %eq3A = arith.constant 0 : i32
    %eq3A_1 = arith.cmpi eq, %add3A, %eq3A : i32
    %convert_element_type3A = arith.extui %eq3A_1 : i1 to i32
    %cond3A = arith.constant 0 : i32
    %cond3A_2 = arith.cmpi ne, %convert_element_type3A, %cond3A : i32
    scf.if %cond3A_2 {
      %swap3A_73 = arith.constant 0.000000e+00 : f32
      %swap3A_74 = arith.constant 0 : index
      %swap3A_75 = memref.load %arg6[%swap3A_74] : memref<1xf32, #tpu.memory_space<smem>>
      memref.store %swap3A_73, %arg6[%swap3A_74] : memref<1xf32, #tpu.memory_space<smem>>
      %swap3A_76 = arith.constant 0 : i32
      %swap3A_77 = arith.constant 0 : index
      %swap3A_78 = memref.load %arg7[%swap3A_77] : memref<1xi32, #tpu.memory_space<smem>>
      memref.store %swap3A_76, %arg7[%swap3A_77] : memref<1xi32, #tpu.memory_space<smem>>
    } else {
    }
    %get3A = arith.constant 0 : index
    %get3A_3 = arith.constant 0 : index
    %get3A_4 = arith.constant 0 : index
    %get3A_5 = arith.constant 0 : index
    %get3A_6 = vector.load %arg2[%get3A, %get3A_3, %get3A_4, %get3A_5] : memref<1x20x64x512xf32, #tpu.memory_space<vmem>>, vector<1x20x64x512xf32>
    %get3A_7 = vector.shape_cast %get3A_6 : vector<1x20x64x512xf32> to vector<20x64x512xf32>
    %get3A_8 = arith.constant 0 : index
    %get3A_9 = arith.constant 0 : index
    %get3A_10 = arith.constant 0 : index
    %get3A_11 = vector.load %arg3[%get3A_8, %get3A_9, %get3A_10] : memref<1x64x512xi32, #tpu.memory_space<vmem>>, vector<1x64x512xi32>
    %broadcast_in_dim3A = vector.shape_cast %get3A_11 : vector<1x64x512xi32> to vector<1x64x512xi32>
    %broadcast_in_dim3A_12 = vector.broadcast %broadcast_in_dim3A : vector<1x64x512xi32> to vector<20x64x512xi32>
    %iota3A = tpu.iota {dimensions = array<i32: 0>} : vector<20x64x512xi32>
    %shift_right_arithmetic3A = arith.shrsi %broadcast_in_dim3A_12, %iota3A : vector<20x64x512xi32>
    %and3A = arith.constant 1 : i32
    %and3A_13 = vector.broadcast %and3A : i32 to vector<20x64x512xi32>
    %and3A_14 = arith.andi %shift_right_arithmetic3A, %and3A_13 : vector<20x64x512xi32>
    %ne3A = arith.constant 0 : i32
    %ne3A_15 = vector.broadcast %ne3A : i32 to vector<20x64x512xi32>
    %ne3A_16 = arith.cmpi ne, %and3A_14, %ne3A_15 : vector<20x64x512xi32>
    %exp3A = math.exp %get3A_7 : vector<20x64x512xf32>
    %jit3A = arith.constant 0.000000e+00 : f32
    %broadcast_in_dim3A_17 = vector.broadcast %jit3A : f32 to vector<20x64x512xf32>
    %select_n3A = arith.select %ne3A_16, %broadcast_in_dim3A_17, %exp3A : vector<20x64x512xi1>, vector<20x64x512xf32>
    %reduce_sum3A = arith.constant dense<0.000000e+00> : vector<64x512xf32>
    %reduce_sum3A_18 = vector.multi_reduction <add>, %select_n3A, %reduce_sum3A [0] : vector<20x64x512xf32> to vector<64x512xf32>
    %broadcast_in_dim3A_19 = vector.shape_cast %reduce_sum3A_18 : vector<64x512xf32> to vector<1x64x512xf32>
    %add3A_20 = vector.broadcast %broadcast_in_dim3A_19 : vector<1x64x512xf32> to vector<20x64x512xf32>
    %add3A_21 = arith.addf %add3A_20, %exp3A : vector<20x64x512xf32>
    %log3A = math.log %add3A_21 : vector<20x64x512xf32>
    %sub3A = arith.subf %log3A, %get3A_7 : vector<20x64x512xf32>
    %jit3A_22 = arith.constant 0.000000e+00 : f32
    %broadcast_in_dim3A_23 = vector.broadcast %jit3A_22 : f32 to vector<20x64x512xf32>
    %select_n3A_24 = arith.select %ne3A_16, %sub3A, %broadcast_in_dim3A_23 : vector<20x64x512xi1>, vector<20x64x512xf32>
    %reduce_sum3A_25 = arith.constant dense<0.000000e+00> : vector<64x512xf32>
    %reduce_sum3A_26 = vector.multi_reduction <add>, %select_n3A_24, %reduce_sum3A_25 [0] : vector<20x64x512xf32> to vector<64x512xf32>
    %broadcast_in_dim3A_27 = vector.shape_cast %reduce_sum3A_26 : vector<64x512xf32> to vector<1x64x512xf32>
    %shift_right_arithmetic3A_28 = arith.constant 20 : i32
    %shift_right_arithmetic3A_29 = vector.broadcast %shift_right_arithmetic3A_28 : i32 to vector<1x64x512xi32>
    %shift_right_arithmetic3A_30 = arith.shrsi %get3A_11, %shift_right_arithmetic3A_29 : vector<1x64x512xi32>
    %convert_element_type3A_31 = arith.sitofp %shift_right_arithmetic3A_30 : vector<1x64x512xi32> to vector<1x64x512xf32>
    %ne3A_32 = arith.constant 0 : i32
    %ne3A_33 = vector.broadcast %ne3A_32 : i32 to vector<1x64x512xi32>
    %ne3A_34 = arith.cmpi ne, %get3A_11, %ne3A_33 : vector<1x64x512xi32>
    %get3A_35 = arith.constant 0 : index
    %get3A_36 = arith.constant 0 : index
    %get3A_37 = arith.constant 0 : index
    %get3A_38 = vector.load %arg4[%get3A_35, %get3A_36, %get3A_37] : memref<1x64x512xi8, #tpu.memory_space<vmem>>, vector<1x64x512xi8>
    %ne3A_39 = arith.constant 0 : i8
    %ne3A_40 = vector.broadcast %ne3A_39 : i8 to vector<1x64x512xi8>
    %ne3A_41 = arith.cmpi ne, %get3A_38, %ne3A_40 : vector<1x64x512xi8>
    %and3A_42 = arith.andi %ne3A_34, %ne3A_41 : vector<1x64x512xi1>
    %max3A = arith.constant 1.000000e+00 : f32
    %max3A_43 = vector.broadcast %max3A : f32 to vector<1x64x512xf32>
    %max3A_44 = arith.maximumf %convert_element_type3A_31, %max3A_43 : vector<1x64x512xf32>
    %div3A = arith.divf %broadcast_in_dim3A_27, %max3A_44 : vector<1x64x512xf32>
    %jit3A_45 = arith.constant 0.000000e+00 : f32
    %broadcast_in_dim3A_46 = vector.broadcast %jit3A_45 : f32 to vector<1x64x512xf32>
    %select_n3A_47 = arith.select %and3A_42, %div3A, %broadcast_in_dim3A_46 : vector<1x64x512xi1>, vector<1x64x512xf32>
    %get3A_48 = arith.constant 0 : index
    %get3A_49 = memref.load %arg6[%get3A_48] : memref<1xf32, #tpu.memory_space<smem>>
    %reduce_sum3A_50 = vector.shape_cast %select_n3A_47 : vector<1x64x512xf32> to vector<1x1x64x512xf32>
    %reduce_sum3A_51 = arith.constant dense<0.000000e+00> : vector<1xf32>
    %reduce_sum3A_52 = vector.multi_reduction <add>, %reduce_sum3A_50, %reduce_sum3A_51 [1, 2, 3] : vector<1x1x64x512xf32> to vector<1xf32>
    %reduce_sum3A_53 = vector.shape_cast %reduce_sum3A_52 : vector<1xf32> to vector<1x1x1x1xf32>
    %reduce_sum3A_54 = vector.extract %reduce_sum3A_53[0, 0, 0, 0] : f32 from vector<1x1x1x1xf32>
    %add3A_55 = arith.addf %get3A_49, %reduce_sum3A_54 : f32
    %swap3A = arith.constant 0 : index
    %swap3A_56 = memref.load %arg6[%swap3A] : memref<1xf32, #tpu.memory_space<smem>>
    memref.store %add3A_55, %arg6[%swap3A] : memref<1xf32, #tpu.memory_space<smem>>
    %get3A_57 = arith.constant 0 : index
    %get3A_58 = memref.load %arg7[%get3A_57] : memref<1xi32, #tpu.memory_space<smem>>
    %convert_element_type3A_59 = arith.extui %and3A_42 : vector<1x64x512xi1> to vector<1x64x512xi32>
    %reduce_sum3A_60 = vector.shape_cast %convert_element_type3A_59 : vector<1x64x512xi32> to vector<1x1x64x512xi32>
    %reduce_sum3A_61 = arith.constant dense<0> : vector<1xi32>
    %reduce_sum3A_62 = vector.multi_reduction <add>, %reduce_sum3A_60, %reduce_sum3A_61 [1, 2, 3] : vector<1x1x64x512xi32> to vector<1xi32>
    %reduce_sum3A_63 = vector.shape_cast %reduce_sum3A_62 : vector<1xi32> to vector<1x1x1x1xi32>
    %reduce_sum3A_64 = vector.extract %reduce_sum3A_63[0, 0, 0, 0] : i32 from vector<1x1x1x1xi32>
    %add3A_65 = arith.addi %get3A_58, %reduce_sum3A_64 : i32
    %swap3A_66 = arith.constant 0 : index
    %swap3A_67 = memref.load %arg7[%swap3A_66] : memref<1xi32, #tpu.memory_space<smem>>
    memref.store %add3A_65, %arg7[%swap3A_66] : memref<1xi32, #tpu.memory_space<smem>>
    %eq3A_68 = arith.constant 31 : i32
    %eq3A_69 = arith.cmpi eq, %add3A, %eq3A_68 : i32
    %convert_element_type3A_70 = arith.extui %eq3A_69 : i1 to i32
    %cond3A_71 = arith.constant 0 : i32
    %cond3A_72 = arith.cmpi ne, %convert_element_type3A_70, %cond3A_71 : i32
    scf.if %cond3A_72 {
      %get3A_73 = arith.constant 0 : index
      %get3A_74 = memref.load %arg6[%get3A_73] : memref<1xf32, #tpu.memory_space<smem>>
      %get3A_75 = arith.constant 0 : index
      %get3A_76 = memref.load %arg7[%get3A_75] : memref<1xi32, #tpu.memory_space<smem>>
      %add3A_77 = arith.constant 1 : i32
      %add3A_78 = arith.addi %add3A_77, %get3A_76 : i32
      %convert_element_type3A_79 = arith.sitofp %add3A_78 : i32 to f32
      %div3A_80 = arith.divf %get3A_74, %convert_element_type3A_79 : f32
      %swap3A_81 = arith.constant 0 : index
      %swap3A_82 = arith.constant 0 : index
      %swap3A_83 = memref.load %arg5[%swap3A_81, %swap3A_82] : memref<1x1xf32, #tpu.memory_space<smem>>
      memref.store %div3A_80, %arg5[%swap3A_81, %swap3A_82] : memref<1x1xf32, #tpu.memory_space<smem>>
    } else {
    }
    return
  }
  func.func @transform_0(%arg0: i32, %arg1: i32) -> (i32, i32, i32, i32) {
    %c0_i32 = arith.constant 0 : i32
    %c0_i32_0 = arith.constant 0 : i32
    %c0_i32_1 = arith.constant 0 : i32
    return %arg0, %c0_i32, %arg1, %c0_i32_0 : i32, i32, i32, i32
  }
  func.func @transform_1(%arg0: i32, %arg1: i32) -> (i32, i32, i32) {
    %mul3A = arith.constant 8 : i32
    %mul3A_0 = arith.muli %arg0, %mul3A : i32
    %add3A = arith.addi %mul3A_0, %arg1 : i32
    %c0_i32 = arith.constant 0 : i32
    %c0_i32_1 = arith.constant 0 : i32
    %c0_i32_2 = arith.constant 0 : i32
    return %add3A, %c0_i32, %c0_i32_1 : i32, i32, i32
  }
  func.func @transform_2(%arg0: i32, %arg1: i32) -> (i32, i32, i32) {
    %c0_i32 = arith.constant 0 : i32
    %c0_i32_0 = arith.constant 0 : i32
    return %arg0, %arg1, %c0_i32 : i32, i32, i32
  }
  func.func @transform_3(%arg0: i32, %arg1: i32) -> (i32, i32) {
    %c0_i32 = arith.constant 0 : i32
    %c0_i32_0 = arith.constant 0 : i32
    %c0_i32_1 = arith.constant 0 : i32
    return %c0_i32, %c0_i32_0 : i32, i32
  }
}

</mosaic_0001>

<sc_bundles>
// kernel: kernel.5.cloned.1.call-start
scs
__scs_entry_jumppad:
0x0: {  	(pc) =	sbr.rel $0x88, $3  }
0x1: {  	(tag) =	ssettag $0x0;
	lr =	simm.s32 $0x1  }
0x2: {  	[smem:$0x3F9D] =	sst lr;
	_ =	strace $0xD0000000  }
0x3: {  	_ = 	snop  }
0x4: {  	_ = 	snop  }
0x5: {  	_ = 	snop  }
0x6: {  	_ = 	snop  }
0x7: {  	_ = 	snop  }
__scs_overlays_trampoline_lowered:
0x8: {  	[smem:$0x3FAC] =	sst s0  }
0x9: {  	[smem:$0x3FAD] =	sst s1  }
0xa: {  	[smem:$0x3FAE] =	sst s2  }
0xb: {  	[smem:$0x3FAF] =	sst s3  }
0xc: {  	[smem:$0x3FB0] =	sst s4  }
0xd: {  	[smem:$0x3FB1] =	sst s5  }
0xe: {  	[smem:$0x3FB2] =	sst s6  }
0xf: {  	[smem:$0x3FB3] =	sst s7  }
0x10: {  	[smem:$0x3FB4] =	sst s8  }
0x11: {  	[smem:$0x3FB5] =	sst s9;
	s0 =	simm.s32 @!p0 $0x0  }
0x12: {  	s1 =	sld [smem:$0x3F9B];
	s0 =	simm.s32 @p0 $0x1  }
0x13: {  	[smem:$0x3FB6] =	sst s0;
	s0 =	simm.s32 @!p1 $0x0  }
0x14: {  	s2 =	sld [smem:$0x3F9A];
	s0 =	simm.s32 @p1 $0x1  }
0x15: {  	[smem:$0x3FB7] =	sst s0;
	s0 =	simm.s32 @!p2 $0x0  }
0x16: {  	s3 =	sld [smem:$0x3FDB];
	s0 =	simm.s32 @p2 $0x1  }
0x17: {  	s4 =	simm.s32 $0x1BF5;
	[smem:$0x3FB9] =	sst s0  }
0x18: {  	s0 =	sld [smem:$0x3F9C];
	_ =	swait.ge [sflag:s4], $0x0  }
0x19: {  	s7 =	sld [smem:$0x3F9D]  }
0x1a: {  	s8 =	sadd.s32 $0xFFFFE003, lr  }
0x1b: {  	s9 =	sadd.s32 $0xFFFFFEF7, lr;
	s5 =	simm.s32 $0xFFFFFFFF;
	p2 =	slt.u32 s8, $0xFFFFF086  }
0x1c: {  	p1 =	slt.u32 s9, $0xF7A;
	s5 =	simm.s32 @!p2 $0x0  }
0x1d: {  	s5 =	simm.s32 @p1 $0x1;
	p0 =	seq.s32 s7, s2  }
0x1e: {  	s7 =	smul.u32 @!p0 $0xF7A, s2;
	p2 =	seq.s32 @!p0 s5, $0x0  }
0x1f: {  	s9 =	smul.u32 $0xF7A, s1;
	s8 =	simm.s32 @!p0 $0x1BF5;
	p2 =	por !p2, p0  }
0x20: {  	[sflag:s8] =	ssyncset.s32 @!p0 $0xFFFFF086;
	s6 =	sadd.s32 @!p0 s3, s7;
	s7 =	simm.s32 @!p0 $0x108  }
0x21: {  	s3 =	sadd.s32 s3, s9;
	s6 =	sadd.s32 @!p0 $0x88, s6;
	s7 =	simm.s32 @p2 $0x1082  }
0x22: {  	[simem:s7], [sflag:s8] =	dma.local @!p0 [hbm:s6], $0xF7A  }
0x23: {  	s9 =	sor.u32 $0xD0000000, s2;
	s6 =	simm.s32 $0x108;
	_ =	swait.ge @!p0 [sflag:s8], $0x0  }
0x24: {  	s3 =	sadd.s32 $0x88, s3;
	s6 =	simm.s32 @!p1 $0x1082;
	[sflag:s4] =	ssyncset.s32 $0xFFFFF086  }
0x25: {  	[simem:s6], [sflag:s4] =	dma.local [hbm:s3], $0xF7A  }
0x26: {  	[smem:$0x3F9D] =	sst s1;
	(tag) =	ssettag s2;
	_ =	strace s9  }
0x27: {  	s1 =	sld [smem:$0x3FAD]  }
0x28: {  	s2 =	sld [smem:$0x3FAE]  }
0x29: {  	s4 =	sld [smem:$0x3FB0]  }
0x2a: {  	p0 =	seq.s32 s5, $0x0;
	s5 =	sld [smem:$0x3FB1]  }
0x2b: {  	s6 =	sld [smem:$0x3FB2]  }
0x2c: {  	s7 =	sld [smem:$0x3FB3]  }
0x2d: {  	s3 =	simm.s32 $0x108;
	s8 =	sld [smem:$0x3FB4]  }
0x2e: {  	s3 =	simm.s32 @!p0 $0x1082;
	s9 =	sld [smem:$0x3FB5]  }
0x2f: {  	lr =	sadd.s32 s0, s3;
	s0 =	sld [smem:$0x3FAC]  }
0x30: {  	s3 =	sld [smem:$0x3FAF]  }
0x31: {  	[smem:$0x3FB8] =	sst s10  }
0x32: {  	s10 =	sld [smem:$0x3FB6];
	_ =	sdelay $0x3  }
0x33: {  	p0 =	seq.s32 s10, $0x1;
	s10 =	sld [smem:$0x3FB8];
	_ =	sdelay $0x3  }
0x34: {  	[smem:$0x3FB8] =	sst s10  }
0x35: {  	s10 =	sld [smem:$0x3FB7];
	_ =	sdelay $0x3  }
0x36: {  	p1 =	seq.s32 s10, $0x1;
	s10 =	sld [smem:$0x3FB8];
	_ =	sdelay $0x3  }
0x37: {  	[smem:$0x3FB8] =	sst s10  }
0x38: {  	s10 =	sld [smem:$0x3FB9]  }
0x39: {  	_ = 	snop;
	(pc) =	sbr.ind lr, $3  }
0x3a: {  	_ = 	snop  }
0x3b: {  	_ = 	snop  }
0x3c: {  	p2 =	seq.s32 s10, $0x1;
	s10 =	sld [smem:$0x3FB8]  }
0x3d: {  	_ =	shalt  }
0x3e: {  	_ =	shalt  }
0x3f: {  	_ =	shalt  }
0x40: {  	_ =	shalt  }
0x41: {  	_ =	shalt  }
0x42: {  	_ =	shalt  }
0x43: {  	_ =	shalt  }
0x44: {  	_ =	shalt  }
0x45: {  	_ =	shalt  }
0x46: {  	_ =	shalt  }
0x47: {  	_ =	shalt  }
0x48: {  	_ =	shalt  }
0x49: {  	_ =	shalt  }
0x4a: {  	_ =	shalt  }
0x4b: {  	_ =	shalt  }
0x4c: {  	_ =	shalt  }
0x4d: {  	_ =	shalt  }
0x4e: {  	_ =	shalt  }
0x4f: {  	_ =	shalt  }
0x50: {  	_ =	shalt  }
0x51: {  	_ =	shalt  }
0x52: {  	_ =	shalt  }
0x53: {  	_ =	shalt  }
0x54: {  	_ =	shalt  }
0x55: {  	_ =	shalt  }
0x56: {  	_ =	shalt  }
0x57: {  	_ =	shalt  }
0x58: {  	_ =	shalt  }
0x59: {  	_ =	shalt  }
0x5a: {  	_ =	shalt  }
0x5b: {  	_ =	shalt  }
0x5c: {  	_ =	shalt  }
0x5d: {  	_ =	shalt  }
0x5e: {  	_ =	shalt  }
0x5f: {  	_ =	shalt  }
0x60: {  	_ =	shalt  }
0x61: {  	_ =	shalt  }
0x62: {  	_ =	shalt  }
0x63: {  	_ =	shalt  }
0x64: {  	_ =	shalt  }
0x65: {  	_ =	shalt  }
0x66: {  	_ =	shalt  }
0x67: {  	_ =	shalt  }
0x68: {  	_ =	shalt  }
0x69: {  	_ =	shalt  }
0x6a: {  	_ =	shalt  }
0x6b: {  	_ =	shalt  }
0x6c: {  	_ =	shalt  }
0x6d: {  	_ =	shalt  }
0x6e: {  	_ =	shalt  }
0x6f: {  	_ =	shalt  }
0x70: {  	_ =	shalt  }
0x71: {  	_ =	shalt  }
0x72: {  	_ =	shalt  }
0x73: {  	_ =	shalt  }
0x74: {  	_ =	shalt  }
0x75: {  	_ =	shalt  }
0x76: {  	_ =	shalt  }
0x77: {  	_ =	shalt  }
0x78: {  	_ =	shalt  }
0x79: {  	_ =	shalt  }
0x7a: {  	_ =	shalt  }
0x7b: {  	_ =	shalt  }
0x7c: {  	_ =	shalt  }
0x7d: {  	_ =	shalt  }
0x7e: {  	_ =	shalt  }
0x7f: {  	_ =	shalt  }
0x80: {  	_ =	shalt  }
0x81: {  	_ =	shalt  }
0x82: {  	_ =	shalt  }
0x83: {  	_ =	shalt  }
0x84: {  	_ =	shalt  }
0x85: {  	_ =	shalt  }
0x86: {  	_ =	shalt  }
0x87: {  	_ =	shalt  }
.Lfunc_end0:
.L_simem_size_0:
called_computation_lowered:
.L_overlay_start_0:
0x88: {  	s2 =	sld [smem:$0x3FD9]  }
0x89: {  	s3 =	sld [smem:$0x3FFE];
	_ =	sdelay $0x1  }
0x8a: {  	s1 =	srdreg.scid  }
0x8b: {  	s0 =	sand.u32 $0x1, s1  }
0x8c: {  	s16 =	sshll.u32 s0, $0xA;
	s2 =	sadd.s32 s3, s2  }
0x8d: {  	s2 =	sadd.s32 s2, s16  }
0x8e: {  	[smem:$0x3FC4] =	sst s2  }
0x8f: {  	_ = 	snop  }
0x90: {  	(tm) =	ssettm $0x1  }
0x91: {  	s17 =	sld [smem:$0x3FFB];
	_ =	sdelay $0x3  }
0x92: {  	_ =	strace s17  }
0x93: {  	s2 =	sld [smem:$0x3FFC];
	_ =	sdelay $0x3  }
0x94: {  	_ =	strace s2  }
0x95: {  	s2 =	sld [smem:$0x3FFD];
	_ =	sdelay $0x3  }
0x96: {  	_ =	strace s2  }
0x97: {  	_ =	strace $0x8FFFFFFF  }
0x98: {  	s18 =	sld [smem:$0x3FDB];
	_ =	sdelay $0x1  }
0x99: {  	s19 =	simm.s32 $_scs_section_size  }
0x9a: {  	s4 =	simm.s32 $_size__tile_overlayer_lowered;
	s5 =	simm.s32 $_tile_overlayer_lowered  }
0x9b: {  	s22 =	simm.s32 $0x1BFF;
	s21 =	sshll.u32 s5, $0x1;
	s2 =	sadd.s32 s19, s18  }
0x9c: {  	s6 =	simm.s32 $0x0;
	s20 =	sshll.u32 s4, $0x1;
	s4 =	sadd.s32 s21, s2  }
0x9d: {  	[timem:s6], [sflag:s22] =	dma.local [hbm:s4], s20  }
0x9e: {  	_ =	swait.ge [sflag:s22], s20  }
0x9f: {  	s3 =	ssub.s32 $0x0, s20;
	[sflag:s22] =	ssyncset.done $0x0  }
0xa0: {  	[sflag:s22] =	ssyncadd.s32 s3;
	_ =	sdelay $0x1  }
0xa1: {  	s23 =	simm.s32 $0x1B8B  }
0xa2: {  	_ =	swait.ge [sflag:s23], $0x1  }
0xa3: {  	[sflag:s23] =	ssyncset.done $0x0  }
0xa4: {  	s25 =	simm.s32 $0x1B8E;
	s24 =	sld [smem:$0x3FFE];
	[sflag:s23] =	ssyncadd.s32 $0xFFFFFFFF  }
0xa5: {  	s26 =	simm.s32 $execute0_lowered;
	[smem:$0x3FD2] =	sst s25  }
0xa6: {  	s4 =	sshll.u32 s26, $0x1;
	_ =	strace $0x80000046;
	[dreg:$0x1] =	wrdreg $0xFFFFFFFF  }
0xa7: {  	s28 =	simm.s32 $_size_execute0_lowered;
	s2 =	sadd.s32 s2, s4;
	[dreg:$0x0] =	wrdreg $0x0  }
0xa8: {  	s4 =	sshll.u32 s28, $0x1;
	[dreg:$0x2] =	wrdreg s2  }
0xa9: {  	[dreg:$0x3] =	wrdreg s4  }
0xaa: {  	[dreg:$0x4] =	wrdreg $0xC0  }
0xab: {  	_ =	task [dreg:s6], $0x5FFFF  }
0xac: {  	[dreg:$0x1] =	wrdreg $0xFFFFFFFF  }
0xad: {  	[dreg:$0x0] =	wrdreg $0x60  }
0xae: {  	[dreg:$0x2] =	wrdreg s24  }
0xaf: {  	[dreg:$0x3] =	wrdreg $0x9  }
0xb0: {  	_ =	task.clear_ibuf [dreg:s6], $0x4FFFF;
	_ =	strace $0x90000046  }
0xb1: {  	s29 =	simm.s32 $0x9;
	_ =	strace $0x80000048  }
0xb2: {  	_ =	swait.ge [sflag:s29], $0x1  }
0xb3: {  	[sflag:s29] =	ssyncadd.s32 $0xFFFFFFFF  }
0xb4: {  	_ =	strace $0x90000048  }
0xb5: {  	_ =	sfence  }
0xb6: {  	s30 =	sld [smem:$0x0];
	_ =	sdelay $0x2  }
0xb7: {  	s31 =	sshll.u32 s1, $0xD;
	s1 =	sshrl.u32 s1, $0x2  }
0xb8: {  	s3 =	sand.u32 $0x4000, s31;
	s1 =	sadd.s32 s1, s30  }
0xb9: {  	s0 =	sor.u32 s3, s0;
	s1 =	sshll.u32 s1, $0x11  }
0xba: {  	s0 =	sor.u32 s1, s0  }
0xbb: {  	s0 =	sadd.s32 $0x8F2B, s0  }
0xbc: {  	[sflag:s0] =	ssyncadd.remote.s32 $0x1  }
0xbd: {  	_ =	sfence.sel $0xFFFF  }
0xbe: {  	[dreg:$0x0] =	wrdreg $0xFFFFFFFF;
	(pc) =	sbr.abs _section_cstart, $3  }
0xbf: {  	[dreg:$0x1] =	wrdreg $0xFFFFFFFF  }
0xc0: {  	_ =	task.clear_ibuf [dreg:s6], $0x2FFFF;
	_ =	strace $0x9FFFFFFF  }
0xc1: {  	(tm) =	ssettm $0x7FFFFFFF  }
tec
execute0_lowered:
.L_overlay_start_1:
0x0: {  	(tag) =	ssettag $0x1  }
0x1: {  	s3 =	rddreg [dreg:$0x0]  }
0x2: {  	s0 =	rddreg [dreg:$0x1]  }
0x3: {  	s2 =	simm.s32 $0x0;
	s4 =	srdreg.scid;
	s1 =	stileid.u32  }
0x4: {  	s8 =	simm.s32 $0x800;
	s9 =	simm.s32 $0x8800;
	s10 =	simm.s32 $0x0  }
0x5: {  	[smem:$0x7FF] =	sst s2;
	s4 =	sand.u32 $0x1, s4;
	s5 =	sshll.u32 s1, $0x6  }
0x6: {  	s6 =	sshll.u32 s1, $0xD;
	_ =	strace $0x80000047;
	s7 =	sshll.u32 s4, $0xC  }
0x7: {  	s5 =	sand.u32 $0x300, s5;
	s4 =	ssub.s32 $0x2, s4;
	s6 =	sor.u32 s7, s6  }
0x8: {  	s5 =	sadd.s32 s5, s3;
	s30 =	sshrl.u32 s4, $0x1;
	s7 =	simm.s32 $0x1  }
0x9: {  	s6 =	sadd.s32 s6, s3;
	s31 =	ssub.s32 s4, s30;
	s3 =	sadd.s32 $0x800, s5  }
0xa: {  	s4 =	sadd.s32 $0xC00, s6;
	s5 =	sadd.s32 $0x20C00, s6;
	s6 =	smax.u32 s31, $0x1  }
.LBB2_1:
0xb: {  	[tilespmem:s2], [sflag:$0x1] =	stream.linear.gather [hbm4b:s3+s2], $0x800, $0x38;
	[tilespmem:$0x10800] =	vst v63  }
0xc: {  	_ =	swait.ge [sflag:s7], $0x800  }
0xd: {  	[sflag:s7] =	ssyncset.done $0x0  }
0xe: {  	[sflag:s7] =	ssyncadd.s32 $0xFFFFF800  }
0xf: {  	[tilespmem:s8], [sflag:$0x1] =	stream.linear.gather [hbm4b:s4+s2], $0x8000, $0x38;
	[tilespmem:$0x10800] =	vst v63  }
0x10: {  	_ =	swait.ge [sflag:s7], $0x8000  }
0x11: {  	[sflag:s7] =	ssyncset.done $0x0  }
0x12: {  	s11 =	simm.s32 $0x840;
	[sflag:s7] =	ssyncadd.s32 $0xFFFF8000  }
0x13: {  	v0 =	vld [tilespmem:s11+$0x30]  }
0x14: {  	v1 =	vld [tilespmem:s11+$0xFFFFFFD0]  }
0x15: {  	v2 =	vld [tilespmem:s11+$0xFFFFFFE0]  }
0x16: {  	v3 =	vld [tilespmem:s11+$0xFFFFFFF0]  }
0x17: {  	v4 =	vld [tilespmem:s11+$0x0]  }
0x18: {  	v6 =	vld [tilespmem:s11+$0x10]  }
0x19: {  	v7 =	vld [tilespmem:s11+$0x20]  }
0x1a: {  	v8 =	vld [tilespmem:s11+$0xFFFFFFC0]  }
0x1b: {  	v9 =	vld.idx.msk [tilespmem:v0+s2+$0x0], $0xffff  }
0x1c: {  	v10 =	vld.idx.msk [tilespmem:v1+s2+$0x0], $0xffff  }
0x1d: {  	v5 =	vld.idx.msk [tilespmem:v2+s2+$0x0], $0xffff  }
0x1e: {  	v3 =	vld.idx.msk [tilespmem:v3+s2+$0x0], $0xffff  }
0x1f: {  	v0 =	vld.idx.msk [tilespmem:v4+s2+$0x0], $0xffff  }
0x20: {  	s11 =	simm.s32 $0x8840;
	v1 =	vld.idx.msk [tilespmem:v6+s2+$0x0], $0xffff  }
0x21: {  	v2 =	vld.idx.msk [tilespmem:v7+s2+$0x0], $0xffff;
	[tilespmem:s11+$0x30] =	vst v9  }
0x22: {  	s12 =	simm.s32 $0x0;
	s13 =	simm.s32 $0x8C0;
	v4 =	vld.idx.msk [tilespmem:v8+s2+$0x0], $0xffff;
	[tilespmem:s11+$0xFFFFFFD0] =	vst v10  }
.LBB2_2:
0x23: {  	v6 =	vld [tilespmem:s13+$0x30];
	s12 =	sadd.s32 $0x80, s12;
	[tilespmem:s11+$0xFFFFFFE0] =	vst v5  }
0x24: {  	v5 =	vld [tilespmem:s13+$0xFFFFFFD0];
	p0 =	slt.u32 s12, $0x7F80;
	[tilespmem:s11+$0xFFFFFFF0] =	vst v3  }
0x25: {  	v3 =	vld [tilespmem:s13+$0xFFFFFFE0];
	[tilespmem:s11+$0x0] =	vst v0  }
0x26: {  	v0 =	vld [tilespmem:s13+$0xFFFFFFF0];
	[tilespmem:s11+$0x10] =	vst v1  }
0x27: {  	v1 =	vld [tilespmem:s13+$0x0];
	[tilespmem:s11+$0x20] =	vst v2  }
0x28: {  	v2 =	vld [tilespmem:s13+$0x10];
	[tilespmem:s11+$0xFFFFFFC0] =	vst v4  }
0x29: {  	v4 =	vld [tilespmem:s13+$0x20]  }
0x2a: {  	v7 =	vld [tilespmem:s13+$0xFFFFFFC0]  }
0x2b: {  	v6 =	vld.idx.msk [tilespmem:v6+s2+$0x0], $0xffff  }
0x2c: {  	v8 =	vld.idx.msk [tilespmem:v5+s2+$0x0], $0xffff  }
0x2d: {  	v5 =	vld.idx.msk [tilespmem:v3+s2+$0x0], $0xffff  }
.Ltmp0:
0x2e: {  	v3 =	vld.idx.msk [tilespmem:v0+s2+$0x0], $0xffff;
	(pc) =	sbr.rel @p0 .LBB2_2-.Ltmp0, $4  }
0x2f: {  	v0 =	vld.idx.msk [tilespmem:v1+s2+$0x0], $0xffff  }
0x30: {  	s11 =	sadd.s32 $0x80, s11;
	v1 =	vld.idx.msk [tilespmem:v2+s2+$0x0], $0xffff  }
0x31: {  	v2 =	vld.idx.msk [tilespmem:v4+s2+$0x0], $0xffff;
	[tilespmem:s11+$0x30] =	vst v6  }
0x32: {  	s13 =	sadd.s32 $0x80, s13;
	v4 =	vld.idx.msk [tilespmem:v7+s2+$0x0], $0xffff;
	[tilespmem:s11+$0xFFFFFFD0] =	vst v8  }
0x33: {  	[tilespmem:s11+$0xFFFFFFE0] =	vst v5  }
0x34: {  	[tilespmem:s11+$0xFFFFFFF0] =	vst v3  }
0x35: {  	[tilespmem:s11+$0x0] =	vst v0  }
0x36: {  	s10 =	sadd.s32 $0x1, s10;
	[tilespmem:s11+$0x10] =	vst v1  }
0x37: {  	p0 =	sne.s32 s10, s6;
	[tilespmem:s11+$0x20] =	vst v2  }
.Ltmp1:
0x38: {  	[tilespmem:s11+$0xFFFFFFC0] =	vst v4;
	(pc) =	sbr.rel @p0 .LBB2_1-.Ltmp1, $4  }
0x39: {  	[hbm4b:s5+s2] =	stream.linear.scatter [tilespmem:s9], [sflag:$0x1], $0x8000, $0x38;
	[tilespmem:$0x10800] =	vst v63  }
0x3a: {  	_ =	swait.ge [sflag:s7], $0x8000  }
0x3b: {  	[sflag:s7] =	ssyncset.done $0x0  }
0x3c: {  	[sflag:s7] =	ssyncadd.s32 $0xFFFF8000  }
0x3d: {  	_ =	sfence.sel $0x180000  }
0x3e: {  	[bflag:$0x0] =	sbarrier.arrive $0xFFFF  }
0x3f: {  	p0 =	sne.s32 s1, $0x0;
	_ =	strace $0x90000047  }
0x40: {  	s0 =	sadd.s32 @!p0 $0x100000, s0;
	[bflag:$0x2] =	sbarrier.arrive $0xFFFF  }
0x41: {  	[sflag:s0] =	ssyncadd.tile.s32 @!p0 $0x1;
	_ =	shalt  }
.Lfunc_end2:
_tile_overlayer_lowered:
.L_overlay_start_2:
0x42: {  	(tag) =	ssettag $0x2  }
0x43: {  	s0 =	rddreg [dreg:$0x0];
	s2 =	stileid.u32  }
0x44: {  	s1 =	rddreg [dreg:$0x1];
	p0 =	sne.s32 s2, $0x0  }
0x45: {  	s3 =	rddreg [dreg:$0x2];
	[bflag:$0x3] =	sbarrier.arrive $0xFFFF;
	s2 =	simm.s32 @!p0 $0x1C01  }
0x46: {  	[timem:s3], [sflag:s2] =	dma.local @!p0 [hbm:s0], s1  }
0x47: {  	s0 =	simm.s32 @!p0 $0x1  }
0x48: {  	_ =	swait.ge @!p0 [sflag:s0], s1  }
0x49: {  	s1 =	ssub.s32 @!p0 $0x0, s1;
	[sflag:s0] =	ssyncset.done @!p0 $0x0  }
0x4a: {  	[sflag:s0] =	ssyncadd.s32 @!p0 s1  }
0x4b: {  	[bflag:$0x3] =	sbarrier.arrive $0xFFFF  }
0x4c: {  	_ =	shalt  }

</sc_bundles>
